<compile_context>
chip_gen: v7x
topology: tpu7x:2x2x1
jax: 0.10.2.dev20260603
libtpu: 0.0.44.dev20260713+nightly
codegen_flags: <defaults>
</compile_context>

<pallas_src>
import jax
import jax.numpy as jnp
from jax import lax
from jax.experimental import pallas as pl
from jax.experimental.pallas import tpu as pltpu

V = 100000
D = 1024
LAT = 576
H = 16
HD = D // H
L = 4
ND = 3
E = 8
K = 2
FH = 1024
B = 1
S = 2048


def _ln(x, g, b):
    m = jnp.mean(x, axis=-1, keepdims=True)
    v = jnp.var(x, axis=-1, keepdims=True)
    return (x - m) / jnp.sqrt(v + 1e-5) * g + b


def _rope(x, pos):
    half = x.shape[-1] // 2
    freqs = 1.0 / (10000.0 ** (jnp.arange(half, dtype=jnp.float32) / half))
    ang = pos[:, None].astype(jnp.float32) * freqs[None, :]
    cos = jnp.cos(ang)[None, None, :, :]
    sin = jnp.sin(ang)[None, None, :, :]
    x1 = x[..., :half]
    x2 = x[..., half:]
    return jnp.concatenate([x1 * cos - x2 * sin, x1 * sin + x2 * cos], axis=-1)



_MTB = 1024


def _moe_body(h2_ref, x3_ref, topi_ref, g_ref, w1_ref, w2_ref, xf_ref, acc_ref):
    e = pl.program_id(1)

    @pl.when(e == 0)
    def _():
        acc_ref[...] = x3_ref[...]

    topi = topi_ref[...]
    g = g_ref[...]
    gate = jnp.sum(jnp.where(topi == e, g, 0.0), axis=1, keepdims=True)
    h2b = h2_ref[...].astype(jnp.bfloat16)
    a = jnp.maximum(
        jnp.dot(h2b, w1_ref[0].astype(jnp.bfloat16), preferred_element_type=jnp.float32),
        0.0,
    )
    y = jnp.dot(a.astype(jnp.bfloat16), w2_ref[0].astype(jnp.bfloat16),
                preferred_element_type=jnp.float32)
    acc_ref[...] += gate * y

    @pl.when(e == E - 1)
    def _():
        xf_ref[...] = acc_ref[...].astype(jnp.bfloat16)


def _moe(h2, x3, topi, g, We1, We2):
    grid = (S // _MTB, E)
    return pl.pallas_call(
        _moe_body,
        grid=grid,
        in_specs=[
            pl.BlockSpec((_MTB, D), lambda t, e: (t, 0)),
            pl.BlockSpec((_MTB, D), lambda t, e: (t, 0)),
            pl.BlockSpec((_MTB, K), lambda t, e: (t, 0)),
            pl.BlockSpec((_MTB, K), lambda t, e: (t, 0)),
            pl.BlockSpec((1, D, FH), lambda t, e: (e, 0, 0)),
            pl.BlockSpec((1, FH, D), lambda t, e: (e, 0, 0)),
        ],
        out_specs=pl.BlockSpec((_MTB, D), lambda t, e: (t, 0)),
        out_shape=jax.ShapeDtypeStruct((S, D), jnp.bfloat16),
        scratch_shapes=[pltpu.VMEM((_MTB, D), jnp.float32)],
    )(h2, x3, topi, g, We1, We2)



_NB = 1024


def _lm_body(xf_ref, w_ref, b_ref, out_ref):
    out_ref[...] = (
        lax.dot_general(
            w_ref[...].astype(jnp.bfloat16), xf_ref[...],
            dimension_numbers=(((1,), (1,)), ((), ())),
            preferred_element_type=jnp.float32,
        )
        + b_ref[...]
    )


def _lm_head(xf, WlmT, blmT):
    grid = (pl.cdiv(V, _NB),)
    return pl.pallas_call(
        _lm_body,
        grid=grid,
        in_specs=[
            pl.BlockSpec((S, D), lambda j: (0, 0)),
            pl.BlockSpec((_NB, D), lambda j: (j, 0)),
            pl.BlockSpec((_NB, 1), lambda j: (j, 0)),
        ],
        out_specs=pl.BlockSpec((_NB, S), lambda j: (j, 0)),
        out_shape=jax.ShapeDtypeStruct((V, S), jnp.float32),
    )(xf, WlmT, blmT)



def kernel(x, emb, Wq, Wkv, Wku, Wvu, Wo, ln1g, ln1b, ln2g, ln2b, Wf1, Wf2, cent, We1, We2, Wlm, blm):
    xe = jnp.take(emb, x, axis=0).reshape(B, S, D)
    eye = jnp.eye(D, dtype=jnp.float32)

    pos = jnp.arange(S)
    mask = jnp.tril(jnp.ones((S, S), dtype=bool))
    xr = xe
    for i in range(L):
        h = _ln(xr, ln1g[i], ln1b[i])
        q = (h @ Wq[i]).reshape(B, S, H, HD).transpose(0, 2, 1, 3)
        lat = h @ Wkv[i]
        k = (lat @ Wku[i]).reshape(B, S, H, HD).transpose(0, 2, 1, 3)
        v = (lat @ Wvu[i]).reshape(B, S, H, HD).transpose(0, 2, 1, 3)
        q = _rope(q, pos)
        k = _rope(k, pos)
        att = jnp.einsum('bhqd,bhkd->bhqk', q, k) / jnp.sqrt(jnp.float32(HD))
        att = jnp.where(mask[None, None, :, :], att, jnp.float32(-1e9))
        att = jax.nn.softmax(att, axis=-1)
        o = jnp.einsum('bhqk,bhkd->bhqd', att, v).transpose(0, 2, 1, 3).reshape(B, S, D) @ Wo[i]
        xr = xr + o
        h2 = _ln(xr, ln2g[i], ln2b[i])
        if i < ND:
            f = jax.nn.relu(h2 @ Wf1[i]) @ Wf2[i]
            xr = xr + f
        else:
            t = h2.reshape(B * S, D)
            rl = t @ cent.T

    topv, topi = jax.lax.top_k(rl, K)
    g = jax.nn.softmax(topv, axis=-1)

    t_fed = t @ eye
    x3_fed = xr.reshape(S, D) @ eye

    xf = _moe(t_fed, x3_fed, topi, g, We1, We2)
    logitsT = _lm_head(xf, jnp.swapaxes(Wlm, 0, 1), blm.reshape(V, 1))
    logits = jnp.swapaxes(logitsT, 0, 1).reshape(B, S, V)

    moe_logits = rl.reshape(1, B, S, E)
    moe_topk = topi.reshape(1, B, S, K)
    return logits, moe_logits, moe_topk

# --- scband reference (transcript-rebuilt; emitter-appended) ---
"""Pipeline reference for scband-deep-seek-v3-1597727834588 (READ-ONLY COPY).

The authoritative reference and input builder live on the scoring server;
editing this copy changes nothing except your own understanding.
"""

import jax, jax.numpy as jnp
import numpy as np

V = 100000
D = 1024
LAT = 576
H = 16
HD = D // H
L = 4
ND = 3
E = 8
K = 2
FH = 1024
B = 1
S = 2048


def _ln(x, g, b):
    m = jnp.mean(x, axis=-1, keepdims=True)
    v = jnp.var(x, axis=-1, keepdims=True)
    return (x - m) / jnp.sqrt(v + 1e-5) * g + b


def _rope(x, pos):
    half = x.shape[-1] // 2
    freqs = 1.0 / (10000.0 ** (jnp.arange(half, dtype=jnp.float32) / half))
    ang = pos[:, None].astype(jnp.float32) * freqs[None, :]
    cos = jnp.cos(ang)[None, None, :, :]
    sin = jnp.sin(ang)[None, None, :, :]
    x1 = x[..., :half]
    x2 = x[..., half:]
    return jnp.concatenate([x1 * cos - x2 * sin, x1 * sin + x2 * cos], axis=-1)


def setup_inputs(seed: int = 0):
    key = jax.random.key(seed)
    ks = jax.random.split(key, 20)
    def nrm(i, shape, scale=0.02):
        return jax.random.normal(ks[i], shape, dtype=jnp.float32) * scale
    inp = {}
    inp["x"] = jax.random.randint(ks[0], (B, S), 0, V)
    inp["emb"] = nrm(1, (V, D))
    inp["Wq"] = nrm(2, (L, D, D))
    inp["Wkv"] = nrm(3, (L, D, LAT))
    inp["Wku"] = nrm(4, (L, LAT, D))
    inp["Wvu"] = nrm(5, (L, LAT, D))
    inp["Wo"] = nrm(6, (L, D, D))
    inp["ln1g"] = jnp.ones((L, D), jnp.float32)
    inp["ln1b"] = jnp.zeros((L, D), jnp.float32)
    inp["ln2g"] = jnp.ones((L, D), jnp.float32)
    inp["ln2b"] = jnp.zeros((L, D), jnp.float32)
    inp["Wf1"] = nrm(7, (ND, D, FH))
    inp["Wf2"] = nrm(8, (ND, FH, D))
    inp["cent"] = nrm(9, (E, D))
    inp["We1"] = nrm(10, (E, D, FH))
    inp["We2"] = nrm(11, (E, FH, D))
    inp["Wlm"] = nrm(12, (D, V))
    inp["blm"] = jnp.zeros((V,), jnp.float32)
    return inp


def _forward(x_tok, emb, Wq, Wkv, Wku, Wvu, Wo, ln1g, ln1b, ln2g, ln2b, Wf1, Wf2, cent, We1, We2, Wlm, blm):
    x = jnp.take(emb, x_tok, axis=0)
    pos = jnp.arange(S)
    mask = jnp.tril(jnp.ones((S, S), dtype=bool))
    moe_logits = []
    moe_topk = []
    for i in range(L):
        h = _ln(x, ln1g[i], ln1b[i])
        q = (h @ Wq[i]).reshape(B, S, H, HD).transpose(0, 2, 1, 3)
        lat = h @ Wkv[i]
        k = (lat @ Wku[i]).reshape(B, S, H, HD).transpose(0, 2, 1, 3)
        v = (lat @ Wvu[i]).reshape(B, S, H, HD).transpose(0, 2, 1, 3)
        q = _rope(q, pos)
        k = _rope(k, pos)
        att = jnp.einsum('bhqd,bhkd->bhqk', q, k) / jnp.sqrt(jnp.float32(HD))
        att = jnp.where(mask[None, None, :, :], att, jnp.float32(-1e9))
        att = jax.nn.softmax(att, axis=-1)
        o = jnp.einsum('bhqk,bhkd->bhqd', att, v).transpose(0, 2, 1, 3).reshape(B, S, D) @ Wo[i]
        x = x + o
        h2 = _ln(x, ln2g[i], ln2b[i])
        if i < ND:
            f = jax.nn.relu(h2 @ Wf1[i]) @ Wf2[i]
        else:
            t = h2.reshape(B * S, D)
            rl = t @ cent.T
            topv, topi = jax.lax.top_k(rl, K)
            g = jax.nn.softmax(topv, axis=-1)
            oh = jax.nn.one_hot(topi, E, dtype=t.dtype)
            gate = jnp.sum(oh * g[..., None], axis=1)
            he = jax.nn.relu(jnp.einsum('td,edh->teh', t, We1))
            ye = jnp.einsum('teh,ehd->ted', he, We2)
            f = jnp.sum(ye * gate[..., None], axis=1).reshape(B, S, D)
            moe_logits.append(rl.reshape(B, S, E))
            moe_topk.append(topi.reshape(B, S, K))
        x = x + f
    logits = x @ Wlm + blm
    return logits, jnp.stack(moe_logits, 0), jnp.stack(moe_topk, 0)


def reference(x, emb, Wq, Wkv, Wku, Wvu, Wo, ln1g, ln1b, ln2g, ln2b, Wf1, Wf2, cent, We1, We2, Wlm, blm):
    return _forward(x, emb, Wq, Wkv, Wku, Wvu, Wo, ln1g, ln1b, ln2g, ln2b, Wf1, Wf2, cent, We1, We2, Wlm, blm)

if __name__ == "__main__":
    import jax
    _d = setup_inputs()
    print(jax.jit(kernel)(*tuple(_d.values())))

</pallas_src>

<mosaic_0001>
module {
  func.func @main(%arg0: i32, %arg1: i32, %arg2: i32, %arg3: memref<1x1024x1024xf32, #tpu.memory_space<vmem>>, %arg4: memref<1x1024x64xf32, #tpu.memory_space<vmem>>, %arg5: memref<1x1024x64xf32, #tpu.memory_space<vmem>>, %arg6: memref<1x1024x1xf32, #tpu.memory_space<vmem>>, %arg7: memref<1x1024x1xf32, #tpu.memory_space<vmem>>) attributes {dimension_semantics = [#tpu.dimension_semantics<parallel>, #tpu.dimension_semantics<parallel>, #tpu.dimension_semantics<arbitrary>], iteration_bounds = array<i64: 16, 2, 2>, scratch_operands = 2 : i64, window_params = [{transform_indices = @qk_fn, window_bounds = array<i64: 1, 1024, 1024>}, {transform_indices = @v_fn, window_bounds = array<i64: 1, 1024, 64>}, {transform_indices = @oi_fn, window_bounds = array<i64: 1, 1024, 64>}]} {
    %c0 = arith.constant 0 : index
    %c0_i32 = arith.constant 0 : i32
    %0 = arith.cmpi eq, %c0_i32, %arg2 : i32
    scf.if %0 {
      %cst_3 = arith.constant dense<0.000000e+00> : vector<1x1024x64xf32>
      vector.store %cst_3, %arg5[%c0, %c0, %c0] : memref<1x1024x64xf32, #tpu.memory_space<vmem>>, vector<1x1024x64xf32>
      %cst_4 = arith.constant dense<0xFF800000> : vector<1x1024x1xf32>
      vector.store %cst_4, %arg6[%c0, %c0, %c0] : memref<1x1024x1xf32, #tpu.memory_space<vmem>>, vector<1x1024x1xf32>
      %cst_5 = arith.constant dense<0.000000e+00> : vector<1x1024x1xf32>
      vector.store %cst_5, %arg7[%c0, %c0, %c0] : memref<1x1024x1xf32, #tpu.memory_space<vmem>>, vector<1x1024x1xf32>
    }
    %1 = vector.load %arg3[%c0, %c0, %c0] : memref<1x1024x1024xf32, #tpu.memory_space<vmem>>, vector<1x1024x1024xf32>
    %cst = arith.constant dense<0xFF800000> : vector<1x1024xf32>
    %2 = vector.multi_reduction <maximumf>, %1, %cst [2] : vector<1x1024x1024xf32> to vector<1x1024xf32>
    %3 = vector.shape_cast %2 : vector<1x1024xf32> to vector<1x1024x1xf32>
    %4 = vector.load %arg6[%c0, %c0, %c0] : memref<1x1024x1xf32, #tpu.memory_space<vmem>>, vector<1x1024x1xf32>
    %5 = arith.maximumf %4, %3 : vector<1x1024x1xf32>
    %cst_0 = arith.constant dense<0.000000e+00> : vector<1x1024x1xf32>
    %6 = arith.cmpf oeq, %4, %5 : vector<1x1024x1xf32>
    %7 = arith.subf %4, %5 : vector<1x1024x1xf32>
    %8 = arith.select %6, %cst_0, %7 : vector<1x1024x1xi1>, vector<1x1024x1xf32>
    %9 = vector.broadcast %5 : vector<1x1024x1xf32> to vector<1x1024x1024xf32>
    %10 = arith.subf %1, %9 : vector<1x1024x1024xf32>
    %11 = math.exp %10 : vector<1x1024x1024xf32>
    %cst_1 = arith.constant dense<0.000000e+00> : vector<1x1024xf32>
    %12 = vector.multi_reduction <add>, %11, %cst_1 [2] : vector<1x1024x1024xf32> to vector<1x1024xf32>
    %13 = vector.shape_cast %12 : vector<1x1024xf32> to vector<1x1024x1xf32>
    %14 = vector.load %arg7[%c0, %c0, %c0] : memref<1x1024x1xf32, #tpu.memory_space<vmem>>, vector<1x1024x1xf32>
    %15 = math.exp %8 : vector<1x1024x1xf32>
    %16 = arith.mulf %15, %14 : vector<1x1024x1xf32>
    %17 = arith.addf %16, %13 : vector<1x1024x1xf32>
    %18 = vector.load %arg5[%c0, %c0, %c0] : memref<1x1024x64xf32, #tpu.memory_space<vmem>>, vector<1x1024x64xf32>
    %19 = math.exp %8 : vector<1x1024x1xf32>
    %20 = arith.mulf %19, %14 : vector<1x1024x1xf32>
    %21 = vector.broadcast %20 : vector<1x1024x1xf32> to vector<1x1024x64xf32>
    %22 = arith.mulf %21, %18 : vector<1x1024x64xf32>
    %23 = vector.load %arg4[%c0, %c0, %c0] : memref<1x1024x64xf32, #tpu.memory_space<vmem>>, vector<1x1024x64xf32>
    %24 = vector.shape_cast %23 : vector<1x1024x64xf32> to vector<1024x64xf32>
    %25 = vector.shape_cast %11 : vector<1x1024x1024xf32> to vector<1024x1024xf32>
    %26 = vector.shape_cast %22 : vector<1x1024x64xf32> to vector<1024x64xf32>
    %27 = tpu.matmul %25, %24, %26 {dimension_numbers = #tpu.dot_dimension_numbers<[1], [0], [0], [1], [0, 0, 1, 1], [], []>, precision = #tpu.contract_precision<bf16>, transpose_lhs_hint = false} : vector<1024x1024xf32>, vector<1024x64xf32>, vector<1024x64xf32> -> vector<1024x64xf32>
    %28 = vector.shape_cast %27 : vector<1024x64xf32> to vector<1x1024x64xf32>
    %cst_2 = arith.constant dense<1.000000e+00> : vector<1x1024x1xf32>
    %29 = arith.divf %cst_2, %17 : vector<1x1024x1xf32>
    %30 = vector.broadcast %29 : vector<1x1024x1xf32> to vector<1x1024x64xf32>
    %31 = arith.mulf %28, %30 : vector<1x1024x64xf32>
    %32 = vector.shape_cast %31 : vector<1x1024x64xf32> to vector<1x1024x64xf32>
    vector.store %32, %arg5[%c0, %c0, %c0] : memref<1x1024x64xf32, #tpu.memory_space<vmem>>, vector<1x1024x64xf32>
    vector.store %5, %arg6[%c0, %c0, %c0] : memref<1x1024x1xf32, #tpu.memory_space<vmem>>, vector<1x1024x1xf32>
    vector.store %17, %arg7[%c0, %c0, %c0] : memref<1x1024x1xf32, #tpu.memory_space<vmem>>, vector<1x1024x1xf32>
    return
  }
  func.func @qk_fn(%arg0: i32, %arg1: i32, %arg2: i32) -> (i32, i32, i32) {
    return %arg0, %arg1, %arg2 : i32, i32, i32
  }
  func.func @v_fn(%arg0: i32, %arg1: i32, %arg2: i32) -> (i32, i32, i32) {
    %c0_i32 = arith.constant 0 : i32
    return %arg0, %arg2, %c0_i32 : i32, i32, i32
  }
  func.func @oi_fn(%arg0: i32, %arg1: i32, %arg2: i32) -> (i32, i32, i32) {
    %c0_i32 = arith.constant 0 : i32
    return %arg0, %arg1, %c0_i32 : i32, i32, i32
  }
}

module attributes {stable_mosaic.version = 14 : i64} {
  func.func @_moe_body(%arg0: i32, %arg1: i32, %arg2: memref<1024x1024xf32, #tpu.memory_space<vmem>>, %arg3: memref<1024x1024xf32, #tpu.memory_space<vmem>>, %arg4: memref<1024x2xi32, #tpu.memory_space<vmem>>, %arg5: memref<1024x2xf32, #tpu.memory_space<vmem>>, %arg6: memref<1x1024x1024xf32, #tpu.memory_space<vmem>>, %arg7: memref<1x1024x1024xf32, #tpu.memory_space<vmem>>, %arg8: memref<1024x1024xbf16, #tpu.memory_space<vmem>>, %arg9: memref<1024x1024xf32, #tpu.memory_space<vmem>>) attributes {dimension_semantics = [#tpu.dimension_semantics<arbitrary>, #tpu.dimension_semantics<arbitrary>], iteration_bounds = array<i64: 2, 8>, scalar_prefetch = 0 : i64, scratch_operands = 1 : i64, tpu.core_type = #tpu.core_type<tc>, window_params = [{transform_indices = @transform_0, window_bounds = array<i64: 1024, 1024>}, {transform_indices = @transform_1, window_bounds = array<i64: 1024, 1024>}, {transform_indices = @transform_2, window_bounds = array<i64: 1024, 2>}, {transform_indices = @transform_3, window_bounds = array<i64: 1024, 2>}, {transform_indices = @transform_4, window_bounds = array<i64: 1, 1024, 1024>}, {transform_indices = @transform_5, window_bounds = array<i64: 1, 1024, 1024>}, {transform_indices = @transform_6, window_bounds = array<i64: 1024, 1024>}]} {
    %eq3A = arith.constant 0 : i32
    %eq3A_0 = arith.cmpi eq, %arg1, %eq3A : i32
    %convert_element_type3A = arith.extui %eq3A_0 : i1 to i32
    %cond3A = arith.constant 0 : i32
    %cond3A_1 = arith.cmpi ne, %convert_element_type3A, %cond3A : i32
    scf.if %cond3A_1 {
      %get3A_44 = arith.constant 0 : index
      %get3A_45 = arith.constant 0 : index
      %get3A_46 = vector.load %arg3[%get3A_44, %get3A_45] : memref<1024x1024xf32, #tpu.memory_space<vmem>>, vector<1024x1024xf32>
      %swap3A_47 = arith.constant 0 : index
      %swap3A_48 = arith.constant 0 : index
      %swap3A_49 = vector.load %arg9[%swap3A_47, %swap3A_48] : memref<1024x1024xf32, #tpu.memory_space<vmem>>, vector<1024x1024xf32>
      tpu.vector_store %arg9[%swap3A_47, %swap3A_48], %get3A_46 {strides = array<i32>} : memref<1024x1024xf32, #tpu.memory_space<vmem>>, vector<1024x1024xf32>,
    } else {
    }
    %get3A = arith.constant 0 : index
    %get3A_2 = arith.constant 0 : index
    %get3A_3 = vector.load %arg4[%get3A, %get3A_2] : memref<1024x2xi32, #tpu.memory_space<vmem>>, vector<1024x2xi32>
    %get3A_4 = arith.constant 0 : index
    %get3A_5 = arith.constant 0 : index
    %get3A_6 = vector.load %arg5[%get3A_4, %get3A_5] : memref<1024x2xf32, #tpu.memory_space<vmem>>, vector<1024x2xf32>
    %eq3A_7 = vector.broadcast %arg1 : i32 to vector<1024x2xi32>
    %eq3A_8 = arith.cmpi eq, %get3A_3, %eq3A_7 : vector<1024x2xi32>
    %jit3A = arith.constant 0.000000e+00 : f32
    %broadcast_in_dim3A = vector.broadcast %jit3A : f32 to vector<1024x2xf32>
    %select_n3A = arith.select %eq3A_8, %get3A_6, %broadcast_in_dim3A : vector<1024x2xi1>, vector<1024x2xf32>
    %reduce_sum3A = arith.constant dense<0.000000e+00> : vector<1024xf32>
    %reduce_sum3A_9 = vector.multi_reduction <add>, %select_n3A, %reduce_sum3A [1] : vector<1024x2xf32> to vector<1024xf32>
    %broadcast_in_dim3A_10 = vector.shape_cast %reduce_sum3A_9 : vector<1024xf32> to vector<1024x1xf32>
    %get3A_11 = arith.constant 0 : index
    %get3A_12 = arith.constant 0 : index
    %get3A_13 = vector.load %arg2[%get3A_11, %get3A_12] : memref<1024x1024xf32, #tpu.memory_space<vmem>>, vector<1024x1024xf32>
    %convert_element_type3A_14 = arith.truncf %get3A_13 : vector<1024x1024xf32> to vector<1024x1024xbf16>
    %get3A_15 = arith.constant 0 : index
    %get3A_16 = arith.constant 0 : index
    %get3A_17 = arith.constant 0 : index
    %get3A_18 = vector.load %arg6[%get3A_15, %get3A_16, %get3A_17] : memref<1x1024x1024xf32, #tpu.memory_space<vmem>>, vector<1x1024x1024xf32>
    %get3A_19 = vector.shape_cast %get3A_18 : vector<1x1024x1024xf32> to vector<1024x1024xf32>
    %convert_element_type3A_20 = arith.truncf %get3A_19 : vector<1024x1024xf32> to vector<1024x1024xbf16>
    %dot_general3A = arith.constant dense<0.000000e+00> : vector<1024x1024xf32>
    %dot_general3A_21 = tpu.matmul %convert_element_type3A_14, %convert_element_type3A_20, %dot_general3A {dimension_numbers = #tpu.dot_dimension_numbers<[1], [0], [0], [1], [0, 0, 1, 1], [], []>, transpose_lhs_hint = false} : vector<1024x1024xbf16>, vector<1024x1024xbf16>, vector<1024x1024xf32> -> vector<1024x1024xf32>
    %max3A = arith.constant 0.000000e+00 : f32
    %max3A_22 = vector.broadcast %max3A : f32 to vector<1024x1024xf32>
    %max3A_23 = arith.maximumf %dot_general3A_21, %max3A_22 : vector<1024x1024xf32>
    %convert_element_type3A_24 = arith.truncf %max3A_23 : vector<1024x1024xf32> to vector<1024x1024xbf16>
    %get3A_25 = arith.constant 0 : index
    %get3A_26 = arith.constant 0 : index
    %get3A_27 = arith.constant 0 : index
    %get3A_28 = vector.load %arg7[%get3A_25, %get3A_26, %get3A_27] : memref<1x1024x1024xf32, #tpu.memory_space<vmem>>, vector<1x1024x1024xf32>
    %get3A_29 = vector.shape_cast %get3A_28 : vector<1x1024x1024xf32> to vector<1024x1024xf32>
    %convert_element_type3A_30 = arith.truncf %get3A_29 : vector<1024x1024xf32> to vector<1024x1024xbf16>
    %dot_general3A_31 = arith.constant dense<0.000000e+00> : vector<1024x1024xf32>
    %dot_general3A_32 = tpu.matmul %convert_element_type3A_24, %convert_element_type3A_30, %dot_general3A_31 {dimension_numbers = #tpu.dot_dimension_numbers<[1], [0], [0], [1], [0, 0, 1, 1], [], []>, transpose_lhs_hint = false} : vector<1024x1024xbf16>, vector<1024x1024xbf16>, vector<1024x1024xf32> -> vector<1024x1024xf32>
    %get3A_33 = arith.constant 0 : index
    %get3A_34 = arith.constant 0 : index
    %get3A_35 = vector.load %arg9[%get3A_33, %get3A_34] : memref<1024x1024xf32, #tpu.memory_space<vmem>>, vector<1024x1024xf32>
    %mul3A = vector.broadcast %broadcast_in_dim3A_10 : vector<1024x1xf32> to vector<1024x1024xf32>
    %mul3A_36 = arith.mulf %mul3A, %dot_general3A_32 : vector<1024x1024xf32>
    %add3A = arith.addf %get3A_35, %mul3A_36 : vector<1024x1024xf32>
    %swap3A = arith.constant 0 : index
    %swap3A_37 = arith.constant 0 : index
    %swap3A_38 = vector.load %arg9[%swap3A, %swap3A_37] : memref<1024x1024xf32, #tpu.memory_space<vmem>>, vector<1024x1024xf32>
    tpu.vector_store %arg9[%swap3A, %swap3A_37], %add3A {strides = array<i32>} : memref<1024x1024xf32, #tpu.memory_space<vmem>>, vector<1024x1024xf32>,
    %eq3A_39 = arith.constant 7 : i32
    %eq3A_40 = arith.cmpi eq, %arg1, %eq3A_39 : i32
    %convert_element_type3A_41 = arith.extui %eq3A_40 : i1 to i32
    %cond3A_42 = arith.constant 0 : i32
    %cond3A_43 = arith.cmpi ne, %convert_element_type3A_41, %cond3A_42 : i32
    scf.if %cond3A_43 {
      %get3A_44 = arith.constant 0 : index
      %get3A_45 = arith.constant 0 : index
      %get3A_46 = vector.load %arg9[%get3A_44, %get3A_45] : memref<1024x1024xf32, #tpu.memory_space<vmem>>, vector<1024x1024xf32>
      %convert_element_type3A_47 = arith.truncf %get3A_46 : vector<1024x1024xf32> to vector<1024x1024xbf16>
      %swap3A_48 = arith.constant 0 : index
      %swap3A_49 = arith.constant 0 : index
      %swap3A_50 = vector.load %arg8[%swap3A_48, %swap3A_49] : memref<1024x1024xbf16, #tpu.memory_space<vmem>>, vector<1024x1024xbf16>
      tpu.vector_store %arg8[%swap3A_48, %swap3A_49], %convert_element_type3A_47 {strides = array<i32>} : memref<1024x1024xbf16, #tpu.memory_space<vmem>>, vector<1024x1024xbf16>,
    } else {
    }
    return
  }
  func.func @transform_0(%arg0: i32, %arg1: i32) -> (i32, i32) {
    %c0_i32 = arith.constant 0 : i32
    %c0_i32_0 = arith.constant 0 : i32
    return %arg0, %c0_i32 : i32, i32
  }
  func.func @transform_1(%arg0: i32, %arg1: i32) -> (i32, i32) {
    %c0_i32 = arith.constant 0 : i32
    %c0_i32_0 = arith.constant 0 : i32
    return %arg0, %c0_i32 : i32, i32
  }
  func.func @transform_2(%arg0: i32, %arg1: i32) -> (i32, i32) {
    %c0_i32 = arith.constant 0 : i32
    %c0_i32_0 = arith.constant 0 : i32
    return %arg0, %c0_i32 : i32, i32
  }
  func.func @transform_3(%arg0: i32, %arg1: i32) -> (i32, i32) {
    %c0_i32 = arith.constant 0 : i32
    %c0_i32_0 = arith.constant 0 : i32
    return %arg0, %c0_i32 : i32, i32
  }
  func.func @transform_4(%arg0: i32, %arg1: i32) -> (i32, i32, i32) {
    %c0_i32 = arith.constant 0 : i32
    %c0_i32_0 = arith.constant 0 : i32
    %c0_i32_1 = arith.constant 0 : i32
    return %arg1, %c0_i32, %c0_i32_0 : i32, i32, i32
  }
  func.func @transform_5(%arg0: i32, %arg1: i32) -> (i32, i32, i32) {
    %c0_i32 = arith.constant 0 : i32
    %c0_i32_0 = arith.constant 0 : i32
    %c0_i32_1 = arith.constant 0 : i32
    return %arg1, %c0_i32, %c0_i32_0 : i32, i32, i32
  }
  func.func @transform_6(%arg0: i32, %arg1: i32) -> (i32, i32) {
    %c0_i32 = arith.constant 0 : i32
    %c0_i32_0 = arith.constant 0 : i32
    return %arg0, %c0_i32 : i32, i32
  }
}

module attributes {stable_mosaic.version = 14 : i64} {
  func.func @_lm_body(%arg0: i32, %arg1: memref<2048x1024xbf16, #tpu.memory_space<vmem>>, %arg2: memref<1024x1024xf32, #tpu.memory_space<vmem>>, %arg3: memref<1024x1xf32, #tpu.memory_space<vmem>>, %arg4: memref<1024x2048xf32, #tpu.memory_space<vmem>>) attributes {dimension_semantics = [#tpu.dimension_semantics<arbitrary>], iteration_bounds = array<i64: 98>, scalar_prefetch = 0 : i64, scratch_operands = 0 : i64, tpu.core_type = #tpu.core_type<tc>, window_params = [{pipeline_mode = #tpu.pipeline_mode<synchronous>, transform_indices = @transform_0, window_bounds = array<i64: 2048, 1024>}, {transform_indices = @transform_1, window_bounds = array<i64: 1024, 1024>}, {transform_indices = @transform_2, window_bounds = array<i64: 1024, 1>}, {transform_indices = @transform_3, window_bounds = array<i64: 1024, 2048>}]} {
    %get3A = arith.constant 0 : index
    %get3A_0 = arith.constant 0 : index
    %get3A_1 = vector.load %arg2[%get3A, %get3A_0] : memref<1024x1024xf32, #tpu.memory_space<vmem>>, vector<1024x1024xf32>
    %convert_element_type3A = arith.truncf %get3A_1 : vector<1024x1024xf32> to vector<1024x1024xbf16>
    %get3A_2 = arith.constant 0 : index
    %get3A_3 = arith.constant 0 : index
    %get3A_4 = vector.load %arg1[%get3A_2, %get3A_3] : memref<2048x1024xbf16, #tpu.memory_space<vmem>>, vector<2048x1024xbf16>
    %dot_general3A = arith.constant dense<0.000000e+00> : vector<1024x2048xf32>
    %dot_general3A_5 = tpu.matmul %convert_element_type3A, %get3A_4, %dot_general3A {dimension_numbers = #tpu.dot_dimension_numbers<[1], [1], [0], [0], [0, 0, 1, 0], [], []>, transpose_lhs_hint = false} : vector<1024x1024xbf16>, vector<2048x1024xbf16>, vector<1024x2048xf32> -> vector<1024x2048xf32>
    %get3A_6 = arith.constant 0 : index
    %get3A_7 = arith.constant 0 : index
    %get3A_8 = vector.load %arg3[%get3A_6, %get3A_7] : memref<1024x1xf32, #tpu.memory_space<vmem>>, vector<1024x1xf32>
    %add3A = vector.broadcast %get3A_8 : vector<1024x1xf32> to vector<1024x2048xf32>
    %add3A_9 = arith.addf %dot_general3A_5, %add3A : vector<1024x2048xf32>
    %swap3A = arith.constant 0 : index
    %swap3A_10 = arith.constant 0 : index
    %swap3A_11 = vector.load %arg4[%swap3A, %swap3A_10] : memref<1024x2048xf32, #tpu.memory_space<vmem>>, vector<1024x2048xf32>
    tpu.vector_store %arg4[%swap3A, %swap3A_10], %add3A_9 {strides = array<i32>} : memref<1024x2048xf32, #tpu.memory_space<vmem>>, vector<1024x2048xf32>,
    return
  }
  func.func @transform_0(%arg0: i32) -> (i32, i32) {
    %c0_i32 = arith.constant 0 : i32
    %c0_i32_0 = arith.constant 0 : i32
    %c0_i32_1 = arith.constant 0 : i32
    return %c0_i32, %c0_i32_0 : i32, i32
  }
  func.func @transform_1(%arg0: i32) -> (i32, i32) {
    %c0_i32 = arith.constant 0 : i32
    %c0_i32_0 = arith.constant 0 : i32
    return %arg0, %c0_i32 : i32, i32
  }
  func.func @transform_2(%arg0: i32) -> (i32, i32) {
    %c0_i32 = arith.constant 0 : i32
    %c0_i32_0 = arith.constant 0 : i32
    return %arg0, %c0_i32 : i32, i32
  }
  func.func @transform_3(%arg0: i32) -> (i32, i32) {
    %c0_i32 = arith.constant 0 : i32
    %c0_i32_0 = arith.constant 0 : i32
    return %arg0, %c0_i32 : i32, i32
  }
}

</mosaic_0001>

<sc_bundles>
// kernel: gather_offload_async_start
scs
__scs_entry_jumppad:
0x0: {  	(pc) =	sbr.rel $0x88, $3  }
0x1: {  	(tag) =	ssettag $0x0;
	lr =	simm.s32 $0x1  }
0x2: {  	[smem:$0x3F8F] =	sst lr;
	_ =	strace $0xD0000000  }
0x3: {  	_ = 	snop  }
0x4: {  	_ = 	snop  }
0x5: {  	_ = 	snop  }
0x6: {  	_ = 	snop  }
0x7: {  	_ = 	snop  }
__scs_overlays_trampoline_lowered:
0x8: {  	[smem:$0x3F9E] =	sst s0  }
0x9: {  	[smem:$0x3F9F] =	sst s1  }
0xa: {  	[smem:$0x3FA0] =	sst s2  }
0xb: {  	[smem:$0x3FA1] =	sst s3  }
0xc: {  	[smem:$0x3FA2] =	sst s4  }
0xd: {  	[smem:$0x3FA3] =	sst s5  }
0xe: {  	[smem:$0x3FA4] =	sst s6  }
0xf: {  	[smem:$0x3FA5] =	sst s7  }
0x10: {  	[smem:$0x3FA6] =	sst s8  }
0x11: {  	[smem:$0x3FA7] =	sst s9;
	s0 =	simm.s32 @!p0 $0x0  }
0x12: {  	s1 =	sld [smem:$0x3F8D];
	s0 =	simm.s32 @p0 $0x1  }
0x13: {  	[smem:$0x3FA8] =	sst s0;
	s0 =	simm.s32 @!p1 $0x0  }
0x14: {  	s2 =	sld [smem:$0x3F8C];
	s0 =	simm.s32 @p1 $0x1  }
0x15: {  	[smem:$0x3FA9] =	sst s0;
	s0 =	simm.s32 @!p2 $0x0  }
0x16: {  	s3 =	sld [smem:$0x3FDB];
	s0 =	simm.s32 @p2 $0x1  }
0x17: {  	s4 =	simm.s32 $0x1BF5;
	[smem:$0x3FAB] =	sst s0  }
0x18: {  	s0 =	sld [smem:$0x3F8E];
	_ =	swait.ge [sflag:s4], $0x0  }
0x19: {  	s7 =	sld [smem:$0x3F8F]  }
0x1a: {  	s8 =	sadd.s32 $0xFFFFE003, lr  }
0x1b: {  	s9 =	sadd.s32 $0xFFFFFEF7, lr;
	s5 =	simm.s32 $0xFFFFFFFF;
	p2 =	slt.u32 s8, $0xFFFFF086  }
0x1c: {  	p1 =	slt.u32 s9, $0xF7A;
	s5 =	simm.s32 @!p2 $0x0  }
0x1d: {  	s5 =	simm.s32 @p1 $0x1;
	p0 =	seq.s32 s7, s2  }
0x1e: {  	s7 =	smul.u32 @!p0 $0xF7A, s2;
	p2 =	seq.s32 @!p0 s5, $0x0  }
0x1f: {  	s9 =	smul.u32 $0xF7A, s1;
	s8 =	simm.s32 @!p0 $0x1BF5;
	p2 =	por !p2, p0  }
0x20: {  	[sflag:s8] =	ssyncset.s32 @!p0 $0xFFFFF086;
	s6 =	sadd.s32 @!p0 s3, s7;
	s7 =	simm.s32 @!p0 $0x108  }
0x21: {  	s3 =	sadd.s32 s3, s9;
	s6 =	sadd.s32 @!p0 $0x88, s6;
	s7 =	simm.s32 @p2 $0x1082  }
0x22: {  	[simem:s7], [sflag:s8] =	dma.local @!p0 [hbm:s6], $0xF7A  }
0x23: {  	s9 =	sor.u32 $0xD0000000, s2;
	s6 =	simm.s32 $0x108;
	_ =	swait.ge @!p0 [sflag:s8], $0x0  }
0x24: {  	s3 =	sadd.s32 $0x88, s3;
	s6 =	simm.s32 @!p1 $0x1082;
	[sflag:s4] =	ssyncset.s32 $0xFFFFF086  }
0x25: {  	[simem:s6], [sflag:s4] =	dma.local [hbm:s3], $0xF7A  }
0x26: {  	[smem:$0x3F8F] =	sst s1;
	(tag) =	ssettag s2;
	_ =	strace s9  }
0x27: {  	s1 =	sld [smem:$0x3F9F]  }
0x28: {  	s2 =	sld [smem:$0x3FA0]  }
0x29: {  	s4 =	sld [smem:$0x3FA2]  }
0x2a: {  	p0 =	seq.s32 s5, $0x0;
	s5 =	sld [smem:$0x3FA3]  }
0x2b: {  	s6 =	sld [smem:$0x3FA4]  }
0x2c: {  	s7 =	sld [smem:$0x3FA5]  }
0x2d: {  	s3 =	simm.s32 $0x108;
	s8 =	sld [smem:$0x3FA6]  }
0x2e: {  	s3 =	simm.s32 @!p0 $0x1082;
	s9 =	sld [smem:$0x3FA7]  }
0x2f: {  	lr =	sadd.s32 s0, s3;
	s0 =	sld [smem:$0x3F9E]  }
0x30: {  	s3 =	sld [smem:$0x3FA1]  }
0x31: {  	[smem:$0x3FAA] =	sst s10  }
0x32: {  	s10 =	sld [smem:$0x3FA8];
	_ =	sdelay $0x3  }
0x33: {  	p0 =	seq.s32 s10, $0x1;
	s10 =	sld [smem:$0x3FAA];
	_ =	sdelay $0x3  }
0x34: {  	[smem:$0x3FAA] =	sst s10  }
0x35: {  	s10 =	sld [smem:$0x3FA9];
	_ =	sdelay $0x3  }
0x36: {  	p1 =	seq.s32 s10, $0x1;
	s10 =	sld [smem:$0x3FAA];
	_ =	sdelay $0x3  }
0x37: {  	[smem:$0x3FAA] =	sst s10  }
0x38: {  	s10 =	sld [smem:$0x3FAB]  }
0x39: {  	_ = 	snop;
	(pc) =	sbr.ind lr, $3  }
0x3a: {  	_ = 	snop  }
0x3b: {  	_ = 	snop  }
0x3c: {  	p2 =	seq.s32 s10, $0x1;
	s10 =	sld [smem:$0x3FAA]  }
0x3d: {  	_ =	shalt  }
0x3e: {  	_ =	shalt  }
0x3f: {  	_ =	shalt  }
0x40: {  	_ =	shalt  }
0x41: {  	_ =	shalt  }
0x42: {  	_ =	shalt  }
0x43: {  	_ =	shalt  }
0x44: {  	_ =	shalt  }
0x45: {  	_ =	shalt  }
0x46: {  	_ =	shalt  }
0x47: {  	_ =	shalt  }
0x48: {  	_ =	shalt  }
0x49: {  	_ =	shalt  }
0x4a: {  	_ =	shalt  }
0x4b: {  	_ =	shalt  }
0x4c: {  	_ =	shalt  }
0x4d: {  	_ =	shalt  }
0x4e: {  	_ =	shalt  }
0x4f: {  	_ =	shalt  }
0x50: {  	_ =	shalt  }
0x51: {  	_ =	shalt  }
0x52: {  	_ =	shalt  }
0x53: {  	_ =	shalt  }
0x54: {  	_ =	shalt  }
0x55: {  	_ =	shalt  }
0x56: {  	_ =	shalt  }
0x57: {  	_ =	shalt  }
0x58: {  	_ =	shalt  }
0x59: {  	_ =	shalt  }
0x5a: {  	_ =	shalt  }
0x5b: {  	_ =	shalt  }
0x5c: {  	_ =	shalt  }
0x5d: {  	_ =	shalt  }
0x5e: {  	_ =	shalt  }
0x5f: {  	_ =	shalt  }
0x60: {  	_ =	shalt  }
0x61: {  	_ =	shalt  }
0x62: {  	_ =	shalt  }
0x63: {  	_ =	shalt  }
0x64: {  	_ =	shalt  }
0x65: {  	_ =	shalt  }
0x66: {  	_ =	shalt  }
0x67: {  	_ =	shalt  }
0x68: {  	_ =	shalt  }
0x69: {  	_ =	shalt  }
0x6a: {  	_ =	shalt  }
0x6b: {  	_ =	shalt  }
0x6c: {  	_ =	shalt  }
0x6d: {  	_ =	shalt  }
0x6e: {  	_ =	shalt  }
0x6f: {  	_ =	shalt  }
0x70: {  	_ =	shalt  }
0x71: {  	_ =	shalt  }
0x72: {  	_ =	shalt  }
0x73: {  	_ =	shalt  }
0x74: {  	_ =	shalt  }
0x75: {  	_ =	shalt  }
0x76: {  	_ =	shalt  }
0x77: {  	_ =	shalt  }
0x78: {  	_ =	shalt  }
0x79: {  	_ =	shalt  }
0x7a: {  	_ =	shalt  }
0x7b: {  	_ =	shalt  }
0x7c: {  	_ =	shalt  }
0x7d: {  	_ =	shalt  }
0x7e: {  	_ =	shalt  }
0x7f: {  	_ =	shalt  }
0x80: {  	_ =	shalt  }
0x81: {  	_ =	shalt  }
0x82: {  	_ =	shalt  }
0x83: {  	_ =	shalt  }
0x84: {  	_ =	shalt  }
0x85: {  	_ =	shalt  }
0x86: {  	_ =	shalt  }
0x87: {  	_ =	shalt  }
.Lfunc_end0:
.L_simem_size_0:
called_computation_lowered:
.L_overlay_start_0:
0x88: {  	s2 =	sld [smem:$0x3FD9]  }
0x89: {  	s3 =	sld [smem:$0x3FFE];
	_ =	sdelay $0x1  }
0x8a: {  	s1 =	srdreg.scid  }
0x8b: {  	s0 =	sand.u32 $0x1, s1  }
0x8c: {  	s14 =	sshll.u32 s0, $0xA;
	s2 =	sadd.s32 s3, s2  }
0x8d: {  	s2 =	sadd.s32 s2, s14  }
0x8e: {  	[smem:$0x3FB6] =	sst s2  }
0x8f: {  	_ = 	snop  }
0x90: {  	s2 =	sld [smem:$0x3FD0];
	_ =	sdelay $0x2  }
0x91: {  	s4 =	simm.s32 $0xA;
	s5 =	simm.s32 $0x10;
	s15 =	sld [smem:$0x3FC8]  }
0x92: {  	[smem:s5], [sflag:s4] =	dma.local [hbm:s2], $0x1  }
0x93: {  	_ =	swait.eq [sflag:s4], $0x1  }
0x94: {  	[sflag:s4] =	ssyncset.done $0x0  }
0x95: {  	[sflag:s4] =	ssyncadd.s32 $0xFFFFFFFF  }
0x96: {  	s16 =	sld [smem:$0x12];
	(tm) =	ssettm $0x1  }
0x97: {  	s17 =	sld [smem:$0x3FFB];
	_ =	sdelay $0x3  }
0x98: {  	_ =	strace s17  }
0x99: {  	s4 =	sld [smem:$0x3FFC];
	_ =	sdelay $0x3  }
0x9a: {  	_ =	strace s4  }
0x9b: {  	s4 =	sld [smem:$0x3FFD];
	_ =	sdelay $0x3  }
0x9c: {  	_ =	strace s4  }
0x9d: {  	_ =	strace $0x8FFFFFFF  }
0x9e: {  	s18 =	sld [smem:$0x3FDB];
	_ =	sdelay $0x1  }
0x9f: {  	s19 =	simm.s32 $_scs_section_size  }
0xa0: {  	s6 =	simm.s32 $_size__tile_overlayer_lowered;
	s7 =	simm.s32 $_tile_overlayer_lowered  }
0xa1: {  	s22 =	simm.s32 $0x1BFF;
	s21 =	sshll.u32 s7, $0x1;
	s4 =	sadd.s32 s19, s18  }
0xa2: {  	s8 =	simm.s32 $0x0;
	s20 =	sshll.u32 s6, $0x1;
	s6 =	sadd.s32 s21, s4  }
0xa3: {  	[timem:s8], [sflag:s22] =	dma.local [hbm:s6], s20  }
0xa4: {  	_ =	swait.ge [sflag:s22], s20  }
0xa5: {  	s5 =	ssub.s32 $0x0, s20;
	[sflag:s22] =	ssyncset.done $0x0  }
0xa6: {  	[sflag:s22] =	ssyncadd.s32 s5;
	_ =	sdelay $0x1  }
0xa7: {  	s23 =	simm.s32 $0x1B8B  }
0xa8: {  	_ =	swait.ge [sflag:s23], $0x1  }
0xa9: {  	[sflag:s23] =	ssyncset.done $0x0  }
0xaa: {  	s25 =	simm.s32 $0x1B8E;
	s24 =	sld [smem:$0x3FFE];
	[sflag:s23] =	ssyncadd.s32 $0xFFFFFFFF  }
0xab: {  	s26 =	simm.s32 $execute0_lowered;
	[smem:$0x3FD2] =	sst s25  }
0xac: {  	s6 =	sshll.u32 s26, $0x1;
	_ =	strace $0x80000046;
	[dreg:$0x1] =	wrdreg $0xFFFFFFFF  }
0xad: {  	s28 =	simm.s32 $_size_execute0_lowered;
	s4 =	sadd.s32 s4, s6;
	[dreg:$0x0] =	wrdreg $0x0  }
0xae: {  	s6 =	sshll.u32 s28, $0x1;
	[dreg:$0x2] =	wrdreg s4  }
0xaf: {  	[dreg:$0x3] =	wrdreg s6  }
0xb0: {  	[dreg:$0x4] =	wrdreg $0xC0  }
0xb1: {  	_ =	task [dreg:s8], $0x5FFFF  }
0xb2: {  	[dreg:$0x1] =	wrdreg $0xFFFFFFFF  }
0xb3: {  	[dreg:$0x0] =	wrdreg $0x60  }
0xb4: {  	[dreg:$0x2] =	wrdreg s15  }
0xb5: {  	[dreg:$0x3] =	wrdreg s16  }
0xb6: {  	[dreg:$0x4] =	wrdreg s24  }
0xb7: {  	[dreg:$0x5] =	wrdreg $0x9  }
0xb8: {  	_ =	task.clear_ibuf [dreg:s8], $0x6FFFF;
	_ =	strace $0x90000046  }
0xb9: {  	s29 =	simm.s32 $0x9;
	_ =	strace $0x80000048  }
0xba: {  	_ =	swait.ge [sflag:s29], $0x1  }
0xbb: {  	[sflag:s29] =	ssyncadd.s32 $0xFFFFFFFF  }
0xbc: {  	_ =	strace $0x90000048  }
0xbd: {  	_ =	sfence  }
0xbe: {  	s30 =	sld [smem:$0x0];
	_ =	sdelay $0x2  }
0xbf: {  	s31 =	sshll.u32 s1, $0xD;
	s1 =	sshrl.u32 s1, $0x2  }
0xc0: {  	s3 =	sand.u32 $0x4000, s31;
	s1 =	sadd.s32 s1, s30  }
0xc1: {  	s0 =	sor.u32 s3, s0;
	s1 =	sshll.u32 s1, $0x11  }
0xc2: {  	s0 =	sor.u32 s1, s0  }
0xc3: {  	s0 =	sadd.s32 $0x8F2B, s0  }
0xc4: {  	[sflag:s0] =	ssyncadd.remote.s32 $0x1  }
0xc5: {  	_ =	sfence.sel $0xFFFF  }
0xc6: {  	[dreg:$0x0] =	wrdreg $0xFFFFFFFF;
	(pc) =	sbr.abs _section_cstart, $3  }
0xc7: {  	[dreg:$0x1] =	wrdreg $0xFFFFFFFF  }
0xc8: {  	_ =	task.clear_ibuf [dreg:s8], $0x2FFFF;
	_ =	strace $0x9FFFFFFF  }
0xc9: {  	(tm) =	ssettm $0x7FFFFFFF  }
tec
execute0_lowered:
.L_overlay_start_1:
0x0: {  	(tag) =	ssettag $0x1  }
0x1: {  	s2 =	rddreg [dreg:$0x0]  }
0x2: {  	s3 =	rddreg [dreg:$0x1]  }
0x3: {  	s7 =	rddreg [dreg:$0x2]  }
0x4: {  	s0 =	rddreg [dreg:$0x3];
	s1 =	srdreg.scid;
	_ =	strace $0x80000047  }
0x5: {  	s4 =	simm.s32 $0x1;
	s9 =	simm.s32 $0x3;
	s5 =	sshll.u32 s1, $0x4  }
.Ltmp0:
0x6: {  	s1 =	stileid.u32;
	s5 =	sand.u32 $0x10, s5;
	(pc) =	sbr.rel .LBB2_1-.Ltmp0, $4  }
0x7: {  	s11 =	simm.s32 $0x0;
	p0 =	por $0x0, $0x0;
	s6 =	sor.u32 s1, s5  }
0x8: {  	[sflag:s4] =	ssyncpa.u1 $0x0;
	s5 =	simm.s32 $0x2;
	s6 =	sshll.u32 s6, $0x6  }
0x9: {  	s7 =	sadd.s32 $0x1C00, s7;
	[sflag:s5] =	ssyncpa.u1 $0x0;
	s8 =	sadd.s32 $0x40, s6  }
0xa: {  	vm0 =	vmmov $0xff;
	vm1 =	vcmask $0x3F20;
	[sflag:s9] =	ssyncpa.u1 $0x0;
	s10 =	smov.u32 s6;
	s9 =	simm.s32 $0x0  }
.LBB2_9:
0xb: {  	p1 =	slt.u32 s9, $0x2;
	s11 =	sadd.s32 $0x20, s10  }
0xc: {  	s13 =	smov.u32 s6;
	s9 =	sadd.s32 $0x1, s9;
	p2 =	slt.s32 s11, s8  }
0xd: {  	s13 =	smov.u32 @p2 s11;
	p2 =	sne.s32 s9, $0x4  }
.Ltmp1:
0xe: {  	_ = 	snop;
	(pc) =	sbr.rel @!p2 .LBB2_10-.Ltmp1, $4  }
0xf: {  	s12 =	simm.s32 @!p1 $0x3  }
0x10: {  	_ =	swait.ge @!p1 [sflag:s12], $0x8000  }
0x11: {  	p0 =	por !p0, !p0;
	[sflag:s12] =	ssyncset.done @!p1 $0x0  }
0x12: {  	s11 =	smov.u32 s10;
	s10 =	smov.u32 s13;
	[sflag:s12] =	ssyncadd.s32 @!p1 $0xFFFF8000  }
.LBB2_1:
0x13: {  	p1 =	sgt.u32 s9, $0x1  }
0x14: {  	s12 =	sshll.u32 @!p1 s9, $0x5;
	s13 =	sshrl.u32 @!p1 s10, $0x3  }
0x15: {  	s14 =	sand.u32 @!p1 $0x7, s10;
	s12 =	sxor.u32 @!p1 $0x20, s12;
	s13 =	sadd.s32 @!p1 s3, s13  }
0x16: {  	[tilespmem:s12], [sflag:$0x2] =	stream.linear.gather @!p1 [hbm4b:s13+s14], $0x20, $0x38;
	[tilespmem:$0x10040] =	vst v63  }
0x17: {  	p1 =	seq.s32 s9, $0x0  }
0x18: {  	p2 =	seq.s32 @!p1 s9, $0x3  }
0x19: {  	p1 =	por p1, p2  }
.Ltmp2:
0x1a: {  	_ = 	snop;
	(pc) =	sbr.rel @p1 .LBB2_9-.Ltmp2, $1  }
0x1b: {  	_ =	sdelay $0x3  }
0x1c: {  	s12 =	simm.s32 $0x1  }
0x1d: {  	_ =	swait.ge [sflag:s5], $0x20;
	s13 =	sand.u32 $0x1, s9;
	s12 =	simm.s32 @!p0 $0x0  }
0x1e: {  	s15 =	simm.s32 $0x0;
	p2 =	por $0x1, $0x1;
	s12 =	sshll.u32 s12, $0x11  }
0x1f: {  	[sflag:s5] =	ssyncset.done $0x0;
	s13 =	sshll.u32 s13, $0x5;
	s14 =	sshrl.u32 s12, $0x2  }
0x20: {  	[sflag:s5] =	ssyncadd.s32 $0xFFFFFFE0;
	s12 =	sor.u32 $0x40, s14;
	s14 =	sadd.s32 $0x40, s14  }
.LBB2_3:
0x21: {  	s16 =	sshll.u32 s15, $0x4  }
0x22: {  	s16 =	sand.u32 $0x3FFFFFF0, s16  }
0x23: {  	s16 =	sadd.s32 s16, s13  }
0x24: {  	v0 =	vld.msk [tilespmem:s16+$0x0 ss:$0x1], $0xffff;
	_ =	sdelay $0x4  }
0x25: {  	vm2 =	vgt.s32 v0, $0x0  }
0x26: {  	v0 =	vnsel vm2, $0x0, v0  }
0x27: {  	v0 =	vmin.u32 v0, $0x1869F  }
0x28: {  	v1 =	vshll.u32 v0, $0x7;
	v0 =	vshll.u32 v0, $0x4  }
0x29: {  	v1 =	vand.u32 $0xFFFC00, v1;
	v0 =	vand.u32 $0x70, v0  }
0x2a: {  	v0 =	vor.u32 v0, v1  }
0x2b: {  	s31 =	sshll.u32 s15, $0x10  }
0x2c: {  	s15 =	sshra.s32 s31, $0x2  }
0x2d: {  	s15 =	sadd.s32 s15, s14  }
0x2e: {  	s17 =	sadd.s32 $0x0, s15  }
0x2f: {  	[tilespmem:s17], [sflag:$0x1] =	stream.indirect_vreg.gather [hbm:s2], $0x80, v0, vm0, $0x38;
	[tilespmem:$0x10040] =	vst v63  }
0x30: {  	p1 =	por p2, p2;
	s16 =	simm.s32 $0x1000;
	v1 =	vadd.s32 $0x80, v0;
	s17 =	sadd.s32 $0x2000, s17  }
.LBB2_4:
0x31: {  	[tilespmem:s17], [sflag:$0x1] =	stream.indirect_vreg.gather [hbm:s2], $0x80, v0, vm1, $0x38;
	[tilespmem:$0x10040] =	vst v63  }
0x32: {  	v0 =	vmov v1;
	s17 =	smov.u32 s16;
	p2 =	sne.s32 s16, $0x7000  }
.Ltmp3:
0x33: {  	s16 =	sadd.s32 $0x1000, s16;
	(pc) =	sbr.rel @p2 .LBB2_4-.Ltmp3, $4  }
0x34: {  	s17 =	sshra.s32 s17, $0x2  }
0x35: {  	s17 =	sadd.s32 s17, s15  }
0x36: {  	[tilespmem:s17], [sflag:$0x1] =	stream.indirect_vreg.gather [hbm:s2], $0x80, v1, vm0, $0x38;
	[tilespmem:$0x10040] =	vst v63  }
0x37: {  	s17 =	sadd.s32 $0x2000, s17;
	v1 =	vadd.s32 $0x80, v1  }
0x38: {  	_ = 	snop  }
.Ltmp4:
0x39: {  	_ = 	snop;
	(pc) =	sbr.rel @p1 .LBB2_3-.Ltmp4, $3  }
0x3a: {  	_ =	sdelay $0x1  }
0x3b: {  	[tilespmem:s17], [sflag:$0x1] =	stream.indirect_vreg.gather [hbm:s2], $0x80, v0, vm1, $0x38;
	[tilespmem:$0x10040] =	vst v63  }
0x3c: {  	s15 =	simm.s32 $0x1;
	p2 =	por $0x0, $0x0  }
0x3d: {  	s13 =	sshll.u32 s11, $0x7  }
0x3e: {  	s31 =	sshll.u32 s11, $0x4;
	s13 =	sand.u32 $0xFFFFFC00, s13  }
0x3f: {  	_ =	swait.ge [sflag:s4], $0x8000;
	s11 =	sand.u32 $0x70, s31;
	s13 =	sadd.s32 s13, s7  }
0x40: {  	s14 =	sadd.s32 $0x2000, s12;
	[sflag:s4] =	ssyncset.done $0x0;
	s11 =	sadd.s32 s11, s13  }
0x41: {  	[sflag:s4] =	ssyncadd.s32 $0xFFFF8000;
	s13 =	simm.s32 $0x400;
	s15 =	sadd.s32 $0x0, s11  }
.LBB2_7:
0x42: {  	[hbm:s15] =	stream.linear.scatter [tilespmem:s12], [sflag:$0x3], $0x2000, $0x38;
	[tilespmem:$0x10040] =	vst v63  }
0x43: {  	s15 =	smov.u32 s13;
	s12 =	smov.u32 s14;
	p1 =	sne.s32 s13, $0xC00  }
.Ltmp5:
0x44: {  	s13 =	sadd.s32 $0x400, s13;
	(pc) =	sbr.rel @p1 .LBB2_7-.Ltmp5, $2  }
0x45: {  	_ =	sdelay $0x2  }
0x46: {  	s14 =	sadd.s32 $0x2000, s14;
	s15 =	sadd.s32 s15, s11  }
.Ltmp6:
0x47: {  	(pc) =	sbr.rel .LBB2_9-.Ltmp6, $2  }
0x48: {  	_ =	sdelay $0x2  }
0x49: {  	[hbm:s15] =	stream.linear.scatter [tilespmem:s12], [sflag:$0x3], $0x2000, $0x38;
	[tilespmem:$0x10040] =	vst v63  }
.LBB2_10:
0x4a: {  	_ =	sfence.sel $0x180000  }
0x4b: {  	s2 =	simm.s32 $0x2;
	[bflag:$0x0] =	sbarrier.arrive $0xFFFF  }
0x4c: {  	s30 =	simm.s32 $0x3;
	[sflag:s2] =	ssyncpa.u1 $0x1  }
0x4d: {  	s31 =	simm.s32 $0x1;
	[sflag:s30] =	ssyncpa.u1 $0x1  }
0x4e: {  	[sflag:s31] =	ssyncpa.u1 $0x1  }
0x4f: {  	p0 =	sne.s32 s1, $0x0;
	_ =	strace $0x90000047  }
0x50: {  	s0 =	sadd.s32 @!p0 $0x100000, s0;
	[bflag:$0x2] =	sbarrier.arrive $0xFFFF  }
0x51: {  	[sflag:s0] =	ssyncadd.tile.s32 @!p0 $0x1;
	_ =	shalt  }
.Lfunc_end2:
_tile_overlayer_lowered:
.L_overlay_start_2:
0x52: {  	(tag) =	ssettag $0x2  }
0x53: {  	s0 =	rddreg [dreg:$0x0];
	s2 =	stileid.u32  }
0x54: {  	s1 =	rddreg [dreg:$0x1];
	p0 =	sne.s32 s2, $0x0  }
0x55: {  	s3 =	rddreg [dreg:$0x2];
	[bflag:$0x3] =	sbarrier.arrive $0xFFFF;
	s2 =	simm.s32 @!p0 $0x1C01  }
0x56: {  	[timem:s3], [sflag:s2] =	dma.local @!p0 [hbm:s0], s1  }
0x57: {  	s0 =	simm.s32 @!p0 $0x1  }
0x58: {  	_ =	swait.ge @!p0 [sflag:s0], s1  }
0x59: {  	s1 =	ssub.s32 @!p0 $0x0, s1;
	[sflag:s0] =	ssyncset.done @!p0 $0x0  }
0x5a: {  	[sflag:s0] =	ssyncadd.s32 @!p0 s1  }
0x5b: {  	[bflag:$0x3] =	sbarrier.arrive $0xFFFF  }
0x5c: {  	_ =	shalt  }

</sc_bundles>
